<compile_context>
chip_gen: v7x
topology: tpu7x:2x2x1
jax: 0.10.2.dev20260603
libtpu: 0.0.44.dev20260713+nightly
codegen_flags: <defaults>
</compile_context>

<pallas_src>
import functools

import jax
import jax.numpy as jnp
from jax import lax
from jax.experimental import pallas as pl
from jax.experimental.pallas import tpu as pltpu
from jax.experimental.pallas import tpu_sc as plsc

N_PAIR = 32
N_CTX = 8
MAX_L = 40
D = 768
NUM_BASE = 92
NUM_NOVEL = 40
N_CLS = NUM_BASE + NUM_NOVEL
VOCAB = 1000
D_ENTI = 256
SUF_L = MAX_L - 1 - N_CTX

C_BLK = 33
NCC = N_CLS // C_BLK

N_IDS = 2 * N_PAIR
G_WORKERS = 8
G_ROWS = N_IDS // G_WORKERS
TM_CHUNK = N_CLS * MAX_L

_SC_MESH = plsc.VectorSubcoreMesh(core_axis_name="c", subcore_axis_name="s")


@functools.partial(
    pl.kernel,
    mesh=_SC_MESH,
    out_type=jax.ShapeDtypeStruct((N_IDS, D_ENTI), jnp.float32),
    scratch_types=[
        pltpu.VMEM((G_ROWS,), jnp.int32),
        pltpu.VMEM((G_ROWS, D_ENTI), jnp.float32),
        pltpu.SemaphoreType.DMA,
    ],
)
def _sc_gather(ids_hbm, enti_hbm, rows_out, idx_v, rows_v, sem):
    wid = lax.axis_index("s") * 2 + lax.axis_index("c")

    @pl.when(wid < G_WORKERS)
    def _():
        base = wid * G_ROWS
        pltpu.sync_copy(ids_hbm.at[pl.ds(base, G_ROWS)], idx_v)
        pltpu.async_copy(enti_hbm.at[idx_v], rows_v, sem).wait()
        pltpu.sync_copy(rows_v, rows_out.at[pl.ds(base, G_ROWS)])


@functools.partial(
    pl.kernel,
    mesh=_SC_MESH,
    out_type=jax.ShapeDtypeStruct((N_PAIR * TM_CHUNK,), jnp.int32),
    scratch_types=[pltpu.VMEM((TM_CHUNK,), jnp.int32)],
)
def _sc_mask(tm_hbm, tm_out, tm_v):
    wid = lax.axis_index("s") * 2 + lax.axis_index("c")
    pltpu.sync_copy(tm_hbm, tm_v)
    pltpu.sync_copy(tm_v, tm_out.at[pl.ds(wid * TM_CHUNK, TM_CHUNK)])


def _assemble_body(g_ref, sW1_ref, sb1_ref, sW2_ref, oW1_ref, ob1_ref,
                   oW2_ref, sctx_in_ref, octx_in_ref,
                   pre_ref, suf_ref, subj_ref, obj_ref,
                   sctx_scr, octx_scr):
    cc = pl.program_id(0)
    p = pl.program_id(1)

    @pl.when((cc == 0) & (p == 0))
    def _():
        s_e = g_ref[0:N_PAIR]
        o_e = g_ref[N_PAIR:N_IDS]
        s_h = jnp.maximum(
            jnp.dot(s_e, sW1_ref[:], preferred_element_type=jnp.float32)
            + sb1_ref[:], 0.0)
        o_h = jnp.maximum(
            jnp.dot(o_e, oW1_ref[:], preferred_element_type=jnp.float32)
            + ob1_ref[:], 0.0)
        s_emb = jnp.dot(s_h, sW2_ref[:], preferred_element_type=jnp.float32)
        o_emb = jnp.dot(o_h, oW2_ref[:], preferred_element_type=jnp.float32)
        sctx_scr[:] = sctx_in_ref[:][None, :, :] + s_emb[:, None, :]
        octx_scr[:] = octx_in_ref[:][None, :, :] + o_emb[:, None, :]

    s_ctx = jnp.broadcast_to(sctx_scr[p][None, :, :], (C_BLK, N_CTX, D))
    o_ctx = jnp.broadcast_to(octx_scr[p][None, :, :], (C_BLK, N_CTX, D))
    pre = pre_ref[:]
    suf = suf_ref[:]
    subj_ref[:, 0:1, :] = pre
    subj_ref[:, 1:1 + N_CTX, :] = s_ctx
    subj_ref[:, 1 + N_CTX:MAX_L, :] = suf
    obj_ref[:, 0:1, :] = pre
    obj_ref[:, 1:1 + N_CTX, :] = o_ctx
    obj_ref[:, 1 + N_CTX:MAX_L, :] = suf


def kernel(so_cls_ids, enti_txt_embds, prefix_embds, suffix_embds, token_mask,
           subj_ctx_embds, obj_ctx_embds, sW1, sb1, sW2, oW1, ob1, oW2):
    prefix_sl = prefix_embds[1:N_CLS + 1]
    suffix_sl = suffix_embds[1:N_CLS + 1]
    tm_flat = token_mask[1:N_CLS + 1].reshape(-1)
    ids_flat = so_cls_ids.T.reshape(-1)

    gathered = _sc_gather(ids_flat, enti_txt_embds)
    tm_rep_flat = _sc_mask(tm_flat)

    const2 = lambda cc, p: (0, 0)
    subj, obj = pl.pallas_call(
        _assemble_body,
        grid=(NCC, N_PAIR),
        in_specs=[
            pl.BlockSpec((N_IDS, D_ENTI), const2),
            pl.BlockSpec((D_ENTI, D_ENTI), const2),
            pl.BlockSpec((D_ENTI,), lambda cc, p: (0,)),
            pl.BlockSpec((D_ENTI, D), const2),
            pl.BlockSpec((D_ENTI, D_ENTI), const2),
            pl.BlockSpec((D_ENTI,), lambda cc, p: (0,)),
            pl.BlockSpec((D_ENTI, D), const2),
            pl.BlockSpec((N_CTX, D), const2),
            pl.BlockSpec((N_CTX, D), const2),
            pl.BlockSpec((C_BLK, 1, D), lambda cc, p: (cc, 0, 0)),
            pl.BlockSpec((C_BLK, SUF_L, D), lambda cc, p: (cc, 0, 0)),
        ],
        out_specs=[
            pl.BlockSpec((C_BLK, MAX_L, D), lambda cc, p: (p * NCC + cc, 0, 0)),
            pl.BlockSpec((C_BLK, MAX_L, D), lambda cc, p: (p * NCC + cc, 0, 0)),
        ],
        out_shape=(
            jax.ShapeDtypeStruct((N_PAIR * N_CLS, MAX_L, D), jnp.float32),
            jax.ShapeDtypeStruct((N_PAIR * N_CLS, MAX_L, D), jnp.float32),
        ),
        scratch_shapes=[
            pltpu.VMEM((N_PAIR, N_CTX, D), jnp.float32),
            pltpu.VMEM((N_PAIR, N_CTX, D), jnp.float32),
        ],
    )(gathered, sW1, sb1, sW2, oW1, ob1, oW2, subj_ctx_embds, obj_ctx_embds,
      prefix_sl, suffix_sl)

    return subj, obj, tm_rep_flat.reshape(N_PAIR * N_CLS, MAX_L)

# --- scband reference (transcript-rebuilt; emitter-appended) ---
"""Pipeline reference for scband-prompt-learner-conditional-v2-9259949490299 (READ-ONLY COPY).

The authoritative reference and input builder live on the scoring server;
editing this copy changes nothing except your own understanding.
"""

import jax, jax.numpy as jnp
import numpy as np

N_PAIR = 32
N_CTX = 8
MAX_L = 40
D = 768
NUM_BASE = 92
NUM_NOVEL = 40
N_CLS_TOTAL = NUM_BASE + NUM_NOVEL + 1
VOCAB = 1000
D_ENTI = 256
SUF_L = MAX_L - 1 - N_CTX


def setup_inputs(seed: int = 0) -> dict:
    key = jax.random.key(seed)
    ks = jax.random.split(key, 13)
    return {
        "so_cls_ids": jax.random.randint(ks[0], (N_PAIR, 2), 0, VOCAB, dtype=jnp.int32),
        "enti_txt_embds": jax.random.normal(ks[1], (VOCAB, D_ENTI), dtype=jnp.float32),
        "prefix_embds": jax.random.normal(ks[2], (N_CLS_TOTAL, 1, D), dtype=jnp.float32) * 0.02,
        "suffix_embds": jax.random.normal(ks[3], (N_CLS_TOTAL, SUF_L, D), dtype=jnp.float32) * 0.02,
        "token_mask": jnp.ones((N_CLS_TOTAL, MAX_L), dtype=jnp.int32),
        "subj_ctx_embds": jax.random.normal(ks[4], (N_CTX, D), dtype=jnp.float32) * 0.02,
        "obj_ctx_embds": jax.random.normal(ks[5], (N_CTX, D), dtype=jnp.float32) * 0.02,
        "sW1": jax.random.normal(ks[6], (D_ENTI, D_ENTI), dtype=jnp.float32) * (1.0 / np.sqrt(D_ENTI)),
        "sb1": jnp.zeros((D_ENTI,), dtype=jnp.float32),
        "sW2": jax.random.normal(ks[7], (D_ENTI, D), dtype=jnp.float32) * (1.0 / np.sqrt(D_ENTI)),
        "oW1": jax.random.normal(ks[8], (D_ENTI, D_ENTI), dtype=jnp.float32) * (1.0 / np.sqrt(D_ENTI)),
        "ob1": jnp.zeros((D_ENTI,), dtype=jnp.float32),
        "oW2": jax.random.normal(ks[9], (D_ENTI, D), dtype=jnp.float32) * (1.0 / np.sqrt(D_ENTI)),
    }


def reference(so_cls_ids, enti_txt_embds, prefix_embds, suffix_embds, token_mask,
              subj_ctx_embds, obj_ctx_embds, sW1, sb1, sW2, oW1, ob1, oW2):
    # split = 'all' (hardcoded): pids_list = range(1, num_base + num_novel + 1)
    n_pair = so_cls_ids.shape[0]
    s_embd = jnp.take(enti_txt_embds, so_cls_ids[:, 0], axis=0)
    o_embd = jnp.take(enti_txt_embds, so_cls_ids[:, 1], axis=0)
    s_embd = jax.nn.relu(s_embd @ sW1 + sb1) @ sW2
    o_embd = jax.nn.relu(o_embd @ oW1 + ob1) @ oW2
    s_ctx = subj_ctx_embds[None, :, :] + s_embd[:, None, :]
    o_ctx = obj_ctx_embds[None, :, :] + o_embd[:, None, :]
    pids = jnp.arange(1, NUM_BASE + NUM_NOVEL + 1)
    n_cls = NUM_BASE + NUM_NOVEL
    prefix = jnp.broadcast_to(jnp.take(prefix_embds, pids, axis=0)[None, :, :, :], (n_pair, n_cls, 1, D))
    suffix = jnp.broadcast_to(jnp.take(suffix_embds, pids, axis=0)[None, :, :, :], (n_pair, n_cls, SUF_L, D))
    tm = jnp.take(token_mask, pids, axis=0)
    s_ctx_e = jnp.broadcast_to(s_ctx[:, None, :, :], (n_pair, n_cls, N_CTX, D))
    o_ctx_e = jnp.broadcast_to(o_ctx[:, None, :, :], (n_pair, n_cls, N_CTX, D))
    subj_token_embds = jnp.concatenate([prefix, s_ctx_e, suffix], axis=2).reshape(n_pair * n_cls, MAX_L, D)
    obj_token_embds = jnp.concatenate([prefix, o_ctx_e, suffix], axis=2).reshape(n_pair * n_cls, MAX_L, D)
    token_mask_rep = jnp.tile(tm, (n_pair, 1))
    return (subj_token_embds, obj_token_embds, token_mask_rep)

if __name__ == "__main__":
    import jax
    _d = setup_inputs()
    print(jax.jit(kernel)(*tuple(_d.values())))

</pallas_src>

<mosaic_0001>
#map = affine_map<(d0, d1) -> (0)>
module attributes {stable_mosaic.version = 14 : i64} {
  func.func @_sc_mask(%arg0: i32, %arg1: i32, %arg2: memref<5280xi32, #tpu.memory_space<hbm>>, %arg3: memref<168960xi32, #tpu.memory_space<hbm>>, %arg4: memref<5280xi32, #tpu.memory_space<vmem>>) attributes {dimension_semantics = [#tpu.dimension_semantics<core_parallel>, #tpu.dimension_semantics<subcore_parallel>], iteration_bounds = array<i64: 2, 16>, scalar_prefetch = 0 : i64, scratch_operands = 1 : i64, tpu.core_type = #tpu.core_type<sc_vector_subcore>, window_params = [{transform_indices = #map}, {transform_indices = #map}]} {
    %mul3A = arith.constant 2 : i32
    %mul3A_0 = arith.muli %arg1, %mul3A : i32
    %add3A = arith.addi %mul3A_0, %arg0 : i32
    "tpu.region"() ({
      %run_scoped3A = tpu.sem_alloc : memref<!tpu.dma_semaphore, #tpu.memory_space<semaphore_mem>>
      tpu.enqueue_dma source(%arg2 : memref<5280xi32, #tpu.memory_space<hbm>>) target(%arg4 : memref<5280xi32, #tpu.memory_space<vmem>>) target_semaphore(%run_scoped3A : memref<!tpu.dma_semaphore, #tpu.memory_space<semaphore_mem>>)
      tpu.wait_dma2 semaphore(%run_scoped3A : memref<!tpu.dma_semaphore, #tpu.memory_space<semaphore_mem>>) src(%arg2 : memref<5280xi32, #tpu.memory_space<hbm>>) dst(%arg4 : memref<5280xi32, #tpu.memory_space<vmem>>)
      tpu.yield
    }) : () -> ()
    %mul3A_1 = arith.constant 5280 : i32
    %mul3A_2 = arith.muli %add3A, %mul3A_1 : i32
    "tpu.region"() ({
      %run_scoped3A = tpu.sem_alloc : memref<!tpu.dma_semaphore, #tpu.memory_space<semaphore_mem>>
      %dma_start3A = tpu.memref_slice %arg3[%mul3A_2] : memref<168960xi32, #tpu.memory_space<hbm>> -> memref<5280xi32, #tpu.memory_space<hbm>>
      %dma_start3A_3 = tpu.memref_slice %arg3[%mul3A_2] : memref<168960xi32, #tpu.memory_space<hbm>> -> memref<5280xi32, #tpu.memory_space<hbm>>
      tpu.enqueue_dma source(%arg4 : memref<5280xi32, #tpu.memory_space<vmem>>) target(%dma_start3A_3 : memref<5280xi32, #tpu.memory_space<hbm>>) target_semaphore(%run_scoped3A : memref<!tpu.dma_semaphore, #tpu.memory_space<semaphore_mem>>)
      %dma_wait3A = tpu.memref_slice %arg3[%mul3A_2] : memref<168960xi32, #tpu.memory_space<hbm>> -> memref<5280xi32, #tpu.memory_space<hbm>>
      %dma_wait3A_4 = tpu.memref_slice %arg3[%mul3A_2] : memref<168960xi32, #tpu.memory_space<hbm>> -> memref<5280xi32, #tpu.memory_space<hbm>>
      tpu.wait_dma2 semaphore(%run_scoped3A : memref<!tpu.dma_semaphore, #tpu.memory_space<semaphore_mem>>) src(%arg4 : memref<5280xi32, #tpu.memory_space<vmem>>) dst(%dma_wait3A_4 : memref<5280xi32, #tpu.memory_space<hbm>>)
      tpu.yield
    }) : () -> ()
    return
  }
}

#map = affine_map<(d0, d1) -> (0)>
#map1 = affine_map<(d0, d1) -> (0, 0)>
module attributes {stable_mosaic.version = 14 : i64} {
  func.func @_sc_gather(%arg0: i32, %arg1: i32, %arg2: memref<64xi32, #tpu.memory_space<hbm>>, %arg3: memref<1000x256xf32, #tpu.memory_space<hbm>>, %arg4: memref<64x256xf32, #tpu.memory_space<hbm>>, %arg5: memref<8xi32, #tpu.memory_space<vmem>>, %arg6: memref<8x256xf32, #tpu.memory_space<vmem>>, %arg7: memref<!tpu.dma_semaphore, #tpu.memory_space<semaphore_mem>>) attributes {dimension_semantics = [#tpu.dimension_semantics<core_parallel>, #tpu.dimension_semantics<subcore_parallel>], iteration_bounds = array<i64: 2, 16>, scalar_prefetch = 0 : i64, scratch_operands = 3 : i64, tpu.core_type = #tpu.core_type<sc_vector_subcore>, window_params = [{transform_indices = #map}, {transform_indices = #map1}, {transform_indices = #map1}]} {
    %mul3A = arith.constant 2 : i32
    %mul3A_0 = arith.muli %arg1, %mul3A : i32
    %add3A = arith.addi %mul3A_0, %arg0 : i32
    %lt3A = arith.constant 8 : i32
    %lt3A_1 = arith.cmpi slt, %add3A, %lt3A : i32
    %convert_element_type3A = arith.extui %lt3A_1 : i1 to i32
    %cond3A = arith.constant 0 : i32
    %cond3A_2 = arith.cmpi ne, %convert_element_type3A, %cond3A : i32
    scf.if %cond3A_2 {
      %mul3A_3 = arith.constant 8 : i32
      %mul3A_4 = arith.muli %add3A, %mul3A_3 : i32
      "tpu.region"() ({
        %run_scoped3A = tpu.sem_alloc : memref<!tpu.dma_semaphore, #tpu.memory_space<semaphore_mem>>
        %dma_start3A_9 = tpu.memref_slice %arg2[%mul3A_4] : memref<64xi32, #tpu.memory_space<hbm>> -> memref<8xi32, #tpu.memory_space<hbm>>
        %dma_start3A_10 = tpu.memref_slice %arg2[%mul3A_4] : memref<64xi32, #tpu.memory_space<hbm>> -> memref<8xi32, #tpu.memory_space<hbm>>
        tpu.enqueue_dma source(%dma_start3A_10 : memref<8xi32, #tpu.memory_space<hbm>>) target(%arg5 : memref<8xi32, #tpu.memory_space<vmem>>) target_semaphore(%run_scoped3A : memref<!tpu.dma_semaphore, #tpu.memory_space<semaphore_mem>>)
        %dma_wait3A_11 = tpu.memref_slice %arg2[%mul3A_4] : memref<64xi32, #tpu.memory_space<hbm>> -> memref<8xi32, #tpu.memory_space<hbm>>
        %dma_wait3A_12 = tpu.memref_slice %arg2[%mul3A_4] : memref<64xi32, #tpu.memory_space<hbm>> -> memref<8xi32, #tpu.memory_space<hbm>>
        tpu.wait_dma2 semaphore(%run_scoped3A : memref<!tpu.dma_semaphore, #tpu.memory_space<semaphore_mem>>) src(%dma_wait3A_12 : memref<8xi32, #tpu.memory_space<hbm>>) dst(%arg5 : memref<8xi32, #tpu.memory_space<vmem>>)
        tpu.yield
      }) : () -> ()
      %dma_start3A = arith.constant 0 : i32
      %dma_start3A_5 = arith.constant 0 : i32
      %dma_start3A_6 = tpu.memref_slice %arg3[%dma_start3A, %dma_start3A_5] : memref<1000x256xf32, #tpu.memory_space<hbm>> -> memref<1000x256xf32, #tpu.memory_space<hbm>>
      tpu.enqueue_indirect_dma source(%dma_start3A_6 : memref<1000x256xf32, #tpu.memory_space<hbm>>) target(%arg6 : memref<8x256xf32, #tpu.memory_space<vmem>>) offsets(%arg5 : memref<8xi32, #tpu.memory_space<vmem>>) semaphore(%arg7 : memref<!tpu.dma_semaphore, #tpu.memory_space<semaphore_mem>>)
      %dma_wait3A = arith.constant 0 : i32
      %dma_wait3A_7 = arith.constant 0 : i32
      %dma_wait3A_8 = tpu.memref_slice %arg3[%dma_wait3A, %dma_wait3A_7] : memref<1000x256xf32, #tpu.memory_space<hbm>> -> memref<1000x256xf32, #tpu.memory_space<hbm>>
      tpu.wait_indirect_dma semaphore(%arg7 : memref<!tpu.dma_semaphore, #tpu.memory_space<semaphore_mem>>) src(%dma_wait3A_8 : memref<1000x256xf32, #tpu.memory_space<hbm>>) dst(%arg6 : memref<8x256xf32, #tpu.memory_space<vmem>>)
      "tpu.region"() ({
        %run_scoped3A = tpu.sem_alloc : memref<!tpu.dma_semaphore, #tpu.memory_space<semaphore_mem>>
        %dma_start3A_9 = arith.constant 0 : i32
        %dma_start3A_10 = tpu.memref_slice %arg4[%mul3A_4, %dma_start3A_9] : memref<64x256xf32, #tpu.memory_space<hbm>> -> memref<8x256xf32, #tpu.memory_space<hbm>>
        %dma_start3A_11 = arith.constant 0 : i32
        %dma_start3A_12 = tpu.memref_slice %arg4[%mul3A_4, %dma_start3A_11] : memref<64x256xf32, #tpu.memory_space<hbm>> -> memref<8x256xf32, #tpu.memory_space<hbm>>
        tpu.enqueue_dma source(%arg6 : memref<8x256xf32, #tpu.memory_space<vmem>>) target(%dma_start3A_12 : memref<8x256xf32, #tpu.memory_space<hbm>>) target_semaphore(%run_scoped3A : memref<!tpu.dma_semaphore, #tpu.memory_space<semaphore_mem>>)
        %dma_wait3A_13 = arith.constant 0 : i32
        %dma_wait3A_14 = tpu.memref_slice %arg4[%mul3A_4, %dma_wait3A_13] : memref<64x256xf32, #tpu.memory_space<hbm>> -> memref<8x256xf32, #tpu.memory_space<hbm>>
        %dma_wait3A_15 = arith.constant 0 : i32
        %dma_wait3A_16 = tpu.memref_slice %arg4[%mul3A_4, %dma_wait3A_15] : memref<64x256xf32, #tpu.memory_space<hbm>> -> memref<8x256xf32, #tpu.memory_space<hbm>>
        tpu.wait_dma2 semaphore(%run_scoped3A : memref<!tpu.dma_semaphore, #tpu.memory_space<semaphore_mem>>) src(%arg6 : memref<8x256xf32, #tpu.memory_space<vmem>>) dst(%dma_wait3A_16 : memref<8x256xf32, #tpu.memory_space<hbm>>)
        tpu.yield
      }) : () -> ()
    } else {
    }
    return
  }
}

module attributes {stable_mosaic.version = 14 : i64} {
  func.func @_assemble_body(%arg0: i32, %arg1: i32, %arg2: memref<64x256xf32, #tpu.memory_space<vmem>>, %arg3: memref<256x256xf32, #tpu.memory_space<vmem>>, %arg4: memref<256xf32, #tpu.memory_space<vmem>>, %arg5: memref<256x768xf32, #tpu.memory_space<vmem>>, %arg6: memref<256x256xf32, #tpu.memory_space<vmem>>, %arg7: memref<256xf32, #tpu.memory_space<vmem>>, %arg8: memref<256x768xf32, #tpu.memory_space<vmem>>, %arg9: memref<8x768xf32, #tpu.memory_space<vmem>>, %arg10: memref<8x768xf32, #tpu.memory_space<vmem>>, %arg11: memref<33x1x768xf32, #tpu.memory_space<vmem>>, %arg12: memref<33x31x768xf32, #tpu.memory_space<vmem>>, %arg13: memref<33x40x768xf32, #tpu.memory_space<vmem>>, %arg14: memref<33x40x768xf32, #tpu.memory_space<vmem>>, %arg15: memref<32x8x768xf32, #tpu.memory_space<vmem>>, %arg16: memref<32x8x768xf32, #tpu.memory_space<vmem>>) attributes {dimension_semantics = [#tpu.dimension_semantics<arbitrary>, #tpu.dimension_semantics<arbitrary>], iteration_bounds = array<i64: 4, 32>, scalar_prefetch = 0 : i64, scratch_operands = 2 : i64, tpu.core_type = #tpu.core_type<tc>, window_params = [{pipeline_mode = #tpu.pipeline_mode<synchronous>, transform_indices = @transform_0, window_bounds = array<i64: 64, 256>}, {pipeline_mode = #tpu.pipeline_mode<synchronous>, transform_indices = @transform_1, window_bounds = array<i64: 256, 256>}, {pipeline_mode = #tpu.pipeline_mode<synchronous>, transform_indices = @transform_2, window_bounds = array<i64: 256>}, {pipeline_mode = #tpu.pipeline_mode<synchronous>, transform_indices = @transform_3, window_bounds = array<i64: 256, 768>}, {pipeline_mode = #tpu.pipeline_mode<synchronous>, transform_indices = @transform_4, window_bounds = array<i64: 256, 256>}, {pipeline_mode = #tpu.pipeline_mode<synchronous>, transform_indices = @transform_5, window_bounds = array<i64: 256>}, {pipeline_mode = #tpu.pipeline_mode<synchronous>, transform_indices = @transform_6, window_bounds = array<i64: 256, 768>}, {pipeline_mode = #tpu.pipeline_mode<synchronous>, transform_indices = @transform_7, window_bounds = array<i64: 8, 768>}, {pipeline_mode = #tpu.pipeline_mode<synchronous>, transform_indices = @transform_8, window_bounds = array<i64: 8, 768>}, {transform_indices = @transform_9, window_bounds = array<i64: 33, 1, 768>}, {transform_indices = @transform_10, window_bounds = array<i64: 33, 31, 768>}, {transform_indices = @transform_11, window_bounds = array<i64: 33, 40, 768>}, {transform_indices = @transform_12, window_bounds = array<i64: 33, 40, 768>}]} {
    %eq3A = arith.constant 0 : i32
    %eq3A_0 = arith.cmpi eq, %arg0, %eq3A : i32
    %eq3A_1 = arith.constant 0 : i32
    %eq3A_2 = arith.cmpi eq, %arg1, %eq3A_1 : i32
    %and3A = arith.andi %eq3A_0, %eq3A_2 : i1
    %convert_element_type3A = arith.extui %and3A : i1 to i32
    %cond3A = arith.constant 0 : i32
    %cond3A_3 = arith.cmpi ne, %convert_element_type3A, %cond3A : i32
    scf.if %cond3A_3 {
      %get3A_49 = arith.constant 0 : index
      %get3A_50 = arith.constant 0 : index
      %get3A_51 = vector.load %arg2[%get3A_49, %get3A_50] : memref<64x256xf32, #tpu.memory_space<vmem>>, vector<32x256xf32>
      %get3A_52 = arith.constant 32 : index
      %get3A_53 = arith.constant 0 : index
      %get3A_54 = vector.load %arg2[%get3A_52, %get3A_53] : memref<64x256xf32, #tpu.memory_space<vmem>>, vector<32x256xf32>
      %get3A_55 = arith.constant 0 : index
      %get3A_56 = arith.constant 0 : index
      %get3A_57 = vector.load %arg3[%get3A_55, %get3A_56] : memref<256x256xf32, #tpu.memory_space<vmem>>, vector<256x256xf32>
      %dot_general3A = arith.constant dense<0.000000e+00> : vector<32x256xf32>
      %dot_general3A_58 = tpu.matmul %get3A_51, %get3A_57, %dot_general3A {dimension_numbers = #tpu.dot_dimension_numbers<[1], [0], [0], [1], [0, 0, 1, 1], [], []>, transpose_lhs_hint = false} : vector<32x256xf32>, vector<256x256xf32>, vector<32x256xf32> -> vector<32x256xf32>
      %get3A_59 = arith.constant 0 : index
      %get3A_60 = vector.load %arg4[%get3A_59] : memref<256xf32, #tpu.memory_space<vmem>>, vector<256xf32>
      %broadcast_in_dim3A_61 = vector.shape_cast %get3A_60 : vector<256xf32> to vector<1x256xf32>
      %add3A = vector.broadcast %broadcast_in_dim3A_61 : vector<1x256xf32> to vector<32x256xf32>
      %add3A_62 = arith.addf %dot_general3A_58, %add3A : vector<32x256xf32>
      %max3A = arith.constant 0.000000e+00 : f32
      %max3A_63 = vector.broadcast %max3A : f32 to vector<32x256xf32>
      %max3A_64 = arith.maximumf %add3A_62, %max3A_63 : vector<32x256xf32>
      %get3A_65 = arith.constant 0 : index
      %get3A_66 = arith.constant 0 : index
      %get3A_67 = vector.load %arg6[%get3A_65, %get3A_66] : memref<256x256xf32, #tpu.memory_space<vmem>>, vector<256x256xf32>
      %dot_general3A_68 = arith.constant dense<0.000000e+00> : vector<32x256xf32>
      %dot_general3A_69 = tpu.matmul %get3A_54, %get3A_67, %dot_general3A_68 {dimension_numbers = #tpu.dot_dimension_numbers<[1], [0], [0], [1], [0, 0, 1, 1], [], []>, transpose_lhs_hint = false} : vector<32x256xf32>, vector<256x256xf32>, vector<32x256xf32> -> vector<32x256xf32>
      %get3A_70 = arith.constant 0 : index
      %get3A_71 = vector.load %arg7[%get3A_70] : memref<256xf32, #tpu.memory_space<vmem>>, vector<256xf32>
      %broadcast_in_dim3A_72 = vector.shape_cast %get3A_71 : vector<256xf32> to vector<1x256xf32>
      %add3A_73 = vector.broadcast %broadcast_in_dim3A_72 : vector<1x256xf32> to vector<32x256xf32>
      %add3A_74 = arith.addf %dot_general3A_69, %add3A_73 : vector<32x256xf32>
      %max3A_75 = arith.constant 0.000000e+00 : f32
      %max3A_76 = vector.broadcast %max3A_75 : f32 to vector<32x256xf32>
      %max3A_77 = arith.maximumf %add3A_74, %max3A_76 : vector<32x256xf32>
      %get3A_78 = arith.constant 0 : index
      %get3A_79 = arith.constant 0 : index
      %get3A_80 = vector.load %arg5[%get3A_78, %get3A_79] : memref<256x768xf32, #tpu.memory_space<vmem>>, vector<256x768xf32>
      %dot_general3A_81 = arith.constant dense<0.000000e+00> : vector<32x768xf32>
      %dot_general3A_82 = tpu.matmul %max3A_64, %get3A_80, %dot_general3A_81 {dimension_numbers = #tpu.dot_dimension_numbers<[1], [0], [0], [1], [0, 0, 1, 1], [], []>, transpose_lhs_hint = false} : vector<32x256xf32>, vector<256x768xf32>, vector<32x768xf32> -> vector<32x768xf32>
      %get3A_83 = arith.constant 0 : index
      %get3A_84 = arith.constant 0 : index
      %get3A_85 = vector.load %arg8[%get3A_83, %get3A_84] : memref<256x768xf32, #tpu.memory_space<vmem>>, vector<256x768xf32>
      %dot_general3A_86 = arith.constant dense<0.000000e+00> : vector<32x768xf32>
      %dot_general3A_87 = tpu.matmul %max3A_77, %get3A_85, %dot_general3A_86 {dimension_numbers = #tpu.dot_dimension_numbers<[1], [0], [0], [1], [0, 0, 1, 1], [], []>, transpose_lhs_hint = false} : vector<32x256xf32>, vector<256x768xf32>, vector<32x768xf32> -> vector<32x768xf32>
      %get3A_88 = arith.constant 0 : index
      %get3A_89 = arith.constant 0 : index
      %get3A_90 = vector.load %arg9[%get3A_88, %get3A_89] : memref<8x768xf32, #tpu.memory_space<vmem>>, vector<8x768xf32>
      %broadcast_in_dim3A_91 = vector.shape_cast %get3A_90 : vector<8x768xf32> to vector<1x8x768xf32>
      %broadcast_in_dim3A_92 = vector.shape_cast %dot_general3A_82 : vector<32x768xf32> to vector<32x1x768xf32>
      %add3A_93 = vector.broadcast %broadcast_in_dim3A_91 : vector<1x8x768xf32> to vector<32x8x768xf32>
      %add3A_94 = vector.broadcast %broadcast_in_dim3A_92 : vector<32x1x768xf32> to vector<32x8x768xf32>
      %add3A_95 = arith.addf %add3A_93, %add3A_94 : vector<32x8x768xf32>
      %swap3A_96 = arith.constant 0 : index
      %swap3A_97 = arith.constant 0 : index
      %swap3A_98 = arith.constant 0 : index
      %swap3A_99 = vector.load %arg15[%swap3A_96, %swap3A_97, %swap3A_98] : memref<32x8x768xf32, #tpu.memory_space<vmem>>, vector<32x8x768xf32>
      tpu.vector_store %arg15[%swap3A_96, %swap3A_97, %swap3A_98], %add3A_95 {strides = array<i32>} : memref<32x8x768xf32, #tpu.memory_space<vmem>>, vector<32x8x768xf32>,
      %get3A_100 = arith.constant 0 : index
      %get3A_101 = arith.constant 0 : index
      %get3A_102 = vector.load %arg10[%get3A_100, %get3A_101] : memref<8x768xf32, #tpu.memory_space<vmem>>, vector<8x768xf32>
      %broadcast_in_dim3A_103 = vector.shape_cast %get3A_102 : vector<8x768xf32> to vector<1x8x768xf32>
      %broadcast_in_dim3A_104 = vector.shape_cast %dot_general3A_87 : vector<32x768xf32> to vector<32x1x768xf32>
      %add3A_105 = vector.broadcast %broadcast_in_dim3A_103 : vector<1x8x768xf32> to vector<32x8x768xf32>
      %add3A_106 = vector.broadcast %broadcast_in_dim3A_104 : vector<32x1x768xf32> to vector<32x8x768xf32>
      %add3A_107 = arith.addf %add3A_105, %add3A_106 : vector<32x8x768xf32>
      %swap3A_108 = arith.constant 0 : index
      %swap3A_109 = arith.constant 0 : index
      %swap3A_110 = arith.constant 0 : index
      %swap3A_111 = vector.load %arg16[%swap3A_108, %swap3A_109, %swap3A_110] : memref<32x8x768xf32, #tpu.memory_space<vmem>>, vector<32x8x768xf32>
      tpu.vector_store %arg16[%swap3A_108, %swap3A_109, %swap3A_110], %add3A_107 {strides = array<i32>} : memref<32x8x768xf32, #tpu.memory_space<vmem>>, vector<32x8x768xf32>,
    } else {
    }
    %get3A = arith.index_cast %arg1 : i32 to index
    %get3A_4 = arith.constant 0 : index
    %get3A_5 = arith.constant 0 : index
    %get3A_6 = vector.load %arg15[%get3A, %get3A_4, %get3A_5] : memref<32x8x768xf32, #tpu.memory_space<vmem>>, vector<1x8x768xf32>
    %get3A_7 = vector.shape_cast %get3A_6 : vector<1x8x768xf32> to vector<8x768xf32>
    %broadcast_in_dim3A = vector.shape_cast %get3A_7 : vector<8x768xf32> to vector<1x8x768xf32>
    %broadcast_in_dim3A_8 = vector.shape_cast %broadcast_in_dim3A : vector<1x8x768xf32> to vector<1x8x768xf32>
    %broadcast_in_dim3A_9 = vector.broadcast %broadcast_in_dim3A_8 : vector<1x8x768xf32> to vector<33x8x768xf32>
    %get3A_10 = arith.index_cast %arg1 : i32 to index
    %get3A_11 = arith.constant 0 : index
    %get3A_12 = arith.constant 0 : index
    %get3A_13 = vector.load %arg16[%get3A_10, %get3A_11, %get3A_12] : memref<32x8x768xf32, #tpu.memory_space<vmem>>, vector<1x8x768xf32>
    %get3A_14 = vector.shape_cast %get3A_13 : vector<1x8x768xf32> to vector<8x768xf32>
    %broadcast_in_dim3A_15 = vector.shape_cast %get3A_14 : vector<8x768xf32> to vector<1x8x768xf32>
    %broadcast_in_dim3A_16 = vector.shape_cast %broadcast_in_dim3A_15 : vector<1x8x768xf32> to vector<1x8x768xf32>
    %broadcast_in_dim3A_17 = vector.broadcast %broadcast_in_dim3A_16 : vector<1x8x768xf32> to vector<33x8x768xf32>
    %get3A_18 = arith.constant 0 : index
    %get3A_19 = arith.constant 0 : index
    %get3A_20 = arith.constant 0 : index
    %get3A_21 = vector.load %arg11[%get3A_18, %get3A_19, %get3A_20] : memref<33x1x768xf32, #tpu.memory_space<vmem>>, vector<33x1x768xf32>
    %get3A_22 = arith.constant 0 : index
    %get3A_23 = arith.constant 0 : index
    %get3A_24 = arith.constant 0 : index
    %get3A_25 = vector.load %arg12[%get3A_22, %get3A_23, %get3A_24] : memref<33x31x768xf32, #tpu.memory_space<vmem>>, vector<33x31x768xf32>
    %swap3A = arith.constant 0 : index
    %swap3A_26 = arith.constant 0 : index
    %swap3A_27 = arith.constant 0 : index
    %swap3A_28 = vector.load %arg13[%swap3A, %swap3A_26, %swap3A_27] : memref<33x40x768xf32, #tpu.memory_space<vmem>>, vector<33x1x768xf32>
    tpu.vector_store %arg13[%swap3A, %swap3A_26, %swap3A_27], %get3A_21 {strides = array<i32>} : memref<33x40x768xf32, #tpu.memory_space<vmem>>, vector<33x1x768xf32>,
    %swap3A_29 = arith.constant 0 : index
    %swap3A_30 = arith.constant 1 : index
    %swap3A_31 = arith.constant 0 : index
    %swap3A_32 = vector.load %arg13[%swap3A_29, %swap3A_30, %swap3A_31] : memref<33x40x768xf32, #tpu.memory_space<vmem>>, vector<33x8x768xf32>
    tpu.vector_store %arg13[%swap3A_29, %swap3A_30, %swap3A_31], %broadcast_in_dim3A_9 {strides = array<i32>} : memref<33x40x768xf32, #tpu.memory_space<vmem>>, vector<33x8x768xf32>,
    %swap3A_33 = arith.constant 0 : index
    %swap3A_34 = arith.constant 9 : index
    %swap3A_35 = arith.constant 0 : index
    %swap3A_36 = vector.load %arg13[%swap3A_33, %swap3A_34, %swap3A_35] : memref<33x40x768xf32, #tpu.memory_space<vmem>>, vector<33x31x768xf32>
    tpu.vector_store %arg13[%swap3A_33, %swap3A_34, %swap3A_35], %get3A_25 {strides = array<i32>} : memref<33x40x768xf32, #tpu.memory_space<vmem>>, vector<33x31x768xf32>,
    %swap3A_37 = arith.constant 0 : index
    %swap3A_38 = arith.constant 0 : index
    %swap3A_39 = arith.constant 0 : index
    %swap3A_40 = vector.load %arg14[%swap3A_37, %swap3A_38, %swap3A_39] : memref<33x40x768xf32, #tpu.memory_space<vmem>>, vector<33x1x768xf32>
    tpu.vector_store %arg14[%swap3A_37, %swap3A_38, %swap3A_39], %get3A_21 {strides = array<i32>} : memref<33x40x768xf32, #tpu.memory_space<vmem>>, vector<33x1x768xf32>,
    %swap3A_41 = arith.constant 0 : index
    %swap3A_42 = arith.constant 1 : index
    %swap3A_43 = arith.constant 0 : index
    %swap3A_44 = vector.load %arg14[%swap3A_41, %swap3A_42, %swap3A_43] : memref<33x40x768xf32, #tpu.memory_space<vmem>>, vector<33x8x768xf32>
    tpu.vector_store %arg14[%swap3A_41, %swap3A_42, %swap3A_43], %broadcast_in_dim3A_17 {strides = array<i32>} : memref<33x40x768xf32, #tpu.memory_space<vmem>>, vector<33x8x768xf32>,
    %swap3A_45 = arith.constant 0 : index
    %swap3A_46 = arith.constant 9 : index
    %swap3A_47 = arith.constant 0 : index
    %swap3A_48 = vector.load %arg14[%swap3A_45, %swap3A_46, %swap3A_47] : memref<33x40x768xf32, #tpu.memory_space<vmem>>, vector<33x31x768xf32>
    tpu.vector_store %arg14[%swap3A_45, %swap3A_46, %swap3A_47], %get3A_25 {strides = array<i32>} : memref<33x40x768xf32, #tpu.memory_space<vmem>>, vector<33x31x768xf32>,
    return
  }
  func.func @transform_0(%arg0: i32, %arg1: i32) -> (i32, i32) {
    %c0_i32 = arith.constant 0 : i32
    %c0_i32_0 = arith.constant 0 : i32
    %c0_i32_1 = arith.constant 0 : i32
    return %c0_i32, %c0_i32_0 : i32, i32
  }
  func.func @transform_1(%arg0: i32, %arg1: i32) -> (i32, i32) {
    %c0_i32 = arith.constant 0 : i32
    %c0_i32_0 = arith.constant 0 : i32
    %c0_i32_1 = arith.constant 0 : i32
    return %c0_i32, %c0_i32_0 : i32, i32
  }
  func.func @transform_2(%arg0: i32, %arg1: i32) -> i32 {
    %c0_i32 = arith.constant 0 : i32
    %c0_i32_0 = arith.constant 0 : i32
    return %c0_i32 : i32
  }
  func.func @transform_3(%arg0: i32, %arg1: i32) -> (i32, i32) {
    %c0_i32 = arith.constant 0 : i32
    %c0_i32_0 = arith.constant 0 : i32
    %c0_i32_1 = arith.constant 0 : i32
    return %c0_i32, %c0_i32_0 : i32, i32
  }
  func.func @transform_4(%arg0: i32, %arg1: i32) -> (i32, i32) {
    %c0_i32 = arith.constant 0 : i32
    %c0_i32_0 = arith.constant 0 : i32
    %c0_i32_1 = arith.constant 0 : i32
    return %c0_i32, %c0_i32_0 : i32, i32
  }
  func.func @transform_5(%arg0: i32, %arg1: i32) -> i32 {
    %c0_i32 = arith.constant 0 : i32
    %c0_i32_0 = arith.constant 0 : i32
    return %c0_i32 : i32
  }
  func.func @transform_6(%arg0: i32, %arg1: i32) -> (i32, i32) {
    %c0_i32 = arith.constant 0 : i32
    %c0_i32_0 = arith.constant 0 : i32
    %c0_i32_1 = arith.constant 0 : i32
    return %c0_i32, %c0_i32_0 : i32, i32
  }
  func.func @transform_7(%arg0: i32, %arg1: i32) -> (i32, i32) {
    %c0_i32 = arith.constant 0 : i32
    %c0_i32_0 = arith.constant 0 : i32
    %c0_i32_1 = arith.constant 0 : i32
    return %c0_i32, %c0_i32_0 : i32, i32
  }
  func.func @transform_8(%arg0: i32, %arg1: i32) -> (i32, i32) {
    %c0_i32 = arith.constant 0 : i32
    %c0_i32_0 = arith.constant 0 : i32
    %c0_i32_1 = arith.constant 0 : i32
    return %c0_i32, %c0_i32_0 : i32, i32
  }
  func.func @transform_9(%arg0: i32, %arg1: i32) -> (i32, i32, i32) {
    %c0_i32 = arith.constant 0 : i32
    %c0_i32_0 = arith.constant 0 : i32
    %c0_i32_1 = arith.constant 0 : i32
    return %arg0, %c0_i32, %c0_i32_0 : i32, i32, i32
  }
  func.func @transform_10(%arg0: i32, %arg1: i32) -> (i32, i32, i32) {
    %c0_i32 = arith.constant 0 : i32
    %c0_i32_0 = arith.constant 0 : i32
    %c0_i32_1 = arith.constant 0 : i32
    return %arg0, %c0_i32, %c0_i32_0 : i32, i32, i32
  }
  func.func @transform_11(%arg0: i32, %arg1: i32) -> (i32, i32, i32) {
    %mul3A = arith.constant 4 : i32
    %mul3A_0 = arith.muli %arg1, %mul3A : i32
    %add3A = arith.addi %mul3A_0, %arg0 : i32
    %c0_i32 = arith.constant 0 : i32
    %c0_i32_1 = arith.constant 0 : i32
    %c0_i32_2 = arith.constant 0 : i32
    return %add3A, %c0_i32, %c0_i32_1 : i32, i32, i32
  }
  func.func @transform_12(%arg0: i32, %arg1: i32) -> (i32, i32, i32) {
    %mul3A = arith.constant 4 : i32
    %mul3A_0 = arith.muli %arg1, %mul3A : i32
    %add3A = arith.addi %mul3A_0, %arg0 : i32
    %c0_i32 = arith.constant 0 : i32
    %c0_i32_1 = arith.constant 0 : i32
    %c0_i32_2 = arith.constant 0 : i32
    return %add3A, %c0_i32, %c0_i32_1 : i32, i32, i32
  }
}

</mosaic_0001>

<sc_bundles>
// kernel: kernel.5.cloned.1.call-start
scs
__scs_entry_jumppad:
0x0: {  	(pc) =	sbr.rel $0x88, $3  }
0x1: {  	(tag) =	ssettag $0x0;
	lr =	simm.s32 $0x1  }
0x2: {  	[smem:$0x3F94] =	sst lr;
	_ =	strace $0xD0000000  }
0x3: {  	_ = 	snop  }
0x4: {  	_ = 	snop  }
0x5: {  	_ = 	snop  }
0x6: {  	_ = 	snop  }
0x7: {  	_ = 	snop  }
__scs_overlays_trampoline_lowered:
0x8: {  	[smem:$0x3FA3] =	sst s0  }
0x9: {  	[smem:$0x3FA4] =	sst s1  }
0xa: {  	[smem:$0x3FA5] =	sst s2  }
0xb: {  	[smem:$0x3FA6] =	sst s3  }
0xc: {  	[smem:$0x3FA7] =	sst s4  }
0xd: {  	[smem:$0x3FA8] =	sst s5  }
0xe: {  	[smem:$0x3FA9] =	sst s6  }
0xf: {  	[smem:$0x3FAA] =	sst s7  }
0x10: {  	[smem:$0x3FAB] =	sst s8  }
0x11: {  	[smem:$0x3FAC] =	sst s9;
	s0 =	simm.s32 @!p0 $0x0  }
0x12: {  	s1 =	sld [smem:$0x3F92];
	s0 =	simm.s32 @p0 $0x1  }
0x13: {  	[smem:$0x3FAD] =	sst s0;
	s0 =	simm.s32 @!p1 $0x0  }
0x14: {  	s2 =	sld [smem:$0x3F91];
	s0 =	simm.s32 @p1 $0x1  }
0x15: {  	[smem:$0x3FAE] =	sst s0;
	s0 =	simm.s32 @!p2 $0x0  }
0x16: {  	s3 =	sld [smem:$0x3FDB];
	s0 =	simm.s32 @p2 $0x1  }
0x17: {  	s4 =	simm.s32 $0x1BF5;
	[smem:$0x3FB0] =	sst s0  }
0x18: {  	s0 =	sld [smem:$0x3F93];
	_ =	swait.ge [sflag:s4], $0x0  }
0x19: {  	s7 =	sld [smem:$0x3F94]  }
0x1a: {  	s8 =	sadd.s32 $0xFFFFE003, lr  }
0x1b: {  	s9 =	sadd.s32 $0xFFFFFEF7, lr;
	s5 =	simm.s32 $0xFFFFFFFF;
	p2 =	slt.u32 s8, $0xFFFFF086  }
0x1c: {  	p1 =	slt.u32 s9, $0xF7A;
	s5 =	simm.s32 @!p2 $0x0  }
0x1d: {  	s5 =	simm.s32 @p1 $0x1;
	p0 =	seq.s32 s7, s2  }
0x1e: {  	s7 =	smul.u32 @!p0 $0xF7A, s2;
	p2 =	seq.s32 @!p0 s5, $0x0  }
0x1f: {  	s9 =	smul.u32 $0xF7A, s1;
	s8 =	simm.s32 @!p0 $0x1BF5;
	p2 =	por !p2, p0  }
0x20: {  	[sflag:s8] =	ssyncset.s32 @!p0 $0xFFFFF086;
	s6 =	sadd.s32 @!p0 s3, s7;
	s7 =	simm.s32 @!p0 $0x108  }
0x21: {  	s3 =	sadd.s32 s3, s9;
	s6 =	sadd.s32 @!p0 $0x88, s6;
	s7 =	simm.s32 @p2 $0x1082  }
0x22: {  	[simem:s7], [sflag:s8] =	dma.local @!p0 [hbm:s6], $0xF7A  }
0x23: {  	s9 =	sor.u32 $0xD0000000, s2;
	s6 =	simm.s32 $0x108;
	_ =	swait.ge @!p0 [sflag:s8], $0x0  }
0x24: {  	s3 =	sadd.s32 $0x88, s3;
	s6 =	simm.s32 @!p1 $0x1082;
	[sflag:s4] =	ssyncset.s32 $0xFFFFF086  }
0x25: {  	[simem:s6], [sflag:s4] =	dma.local [hbm:s3], $0xF7A  }
0x26: {  	[smem:$0x3F94] =	sst s1;
	(tag) =	ssettag s2;
	_ =	strace s9  }
0x27: {  	s1 =	sld [smem:$0x3FA4]  }
0x28: {  	s2 =	sld [smem:$0x3FA5]  }
0x29: {  	s4 =	sld [smem:$0x3FA7]  }
0x2a: {  	p0 =	seq.s32 s5, $0x0;
	s5 =	sld [smem:$0x3FA8]  }
0x2b: {  	s6 =	sld [smem:$0x3FA9]  }
0x2c: {  	s7 =	sld [smem:$0x3FAA]  }
0x2d: {  	s3 =	simm.s32 $0x108;
	s8 =	sld [smem:$0x3FAB]  }
0x2e: {  	s3 =	simm.s32 @!p0 $0x1082;
	s9 =	sld [smem:$0x3FAC]  }
0x2f: {  	lr =	sadd.s32 s0, s3;
	s0 =	sld [smem:$0x3FA3]  }
0x30: {  	s3 =	sld [smem:$0x3FA6]  }
0x31: {  	[smem:$0x3FAF] =	sst s10  }
0x32: {  	s10 =	sld [smem:$0x3FAD];
	_ =	sdelay $0x3  }
0x33: {  	p0 =	seq.s32 s10, $0x1;
	s10 =	sld [smem:$0x3FAF];
	_ =	sdelay $0x3  }
0x34: {  	[smem:$0x3FAF] =	sst s10  }
0x35: {  	s10 =	sld [smem:$0x3FAE];
	_ =	sdelay $0x3  }
0x36: {  	p1 =	seq.s32 s10, $0x1;
	s10 =	sld [smem:$0x3FAF];
	_ =	sdelay $0x3  }
0x37: {  	[smem:$0x3FAF] =	sst s10  }
0x38: {  	s10 =	sld [smem:$0x3FB0]  }
0x39: {  	_ = 	snop;
	(pc) =	sbr.ind lr, $3  }
0x3a: {  	_ = 	snop  }
0x3b: {  	_ = 	snop  }
0x3c: {  	p2 =	seq.s32 s10, $0x1;
	s10 =	sld [smem:$0x3FAF]  }
0x3d: {  	_ =	shalt  }
0x3e: {  	_ =	shalt  }
0x3f: {  	_ =	shalt  }
0x40: {  	_ =	shalt  }
0x41: {  	_ =	shalt  }
0x42: {  	_ =	shalt  }
0x43: {  	_ =	shalt  }
0x44: {  	_ =	shalt  }
0x45: {  	_ =	shalt  }
0x46: {  	_ =	shalt  }
0x47: {  	_ =	shalt  }
0x48: {  	_ =	shalt  }
0x49: {  	_ =	shalt  }
0x4a: {  	_ =	shalt  }
0x4b: {  	_ =	shalt  }
0x4c: {  	_ =	shalt  }
0x4d: {  	_ =	shalt  }
0x4e: {  	_ =	shalt  }
0x4f: {  	_ =	shalt  }
0x50: {  	_ =	shalt  }
0x51: {  	_ =	shalt  }
0x52: {  	_ =	shalt  }
0x53: {  	_ =	shalt  }
0x54: {  	_ =	shalt  }
0x55: {  	_ =	shalt  }
0x56: {  	_ =	shalt  }
0x57: {  	_ =	shalt  }
0x58: {  	_ =	shalt  }
0x59: {  	_ =	shalt  }
0x5a: {  	_ =	shalt  }
0x5b: {  	_ =	shalt  }
0x5c: {  	_ =	shalt  }
0x5d: {  	_ =	shalt  }
0x5e: {  	_ =	shalt  }
0x5f: {  	_ =	shalt  }
0x60: {  	_ =	shalt  }
0x61: {  	_ =	shalt  }
0x62: {  	_ =	shalt  }
0x63: {  	_ =	shalt  }
0x64: {  	_ =	shalt  }
0x65: {  	_ =	shalt  }
0x66: {  	_ =	shalt  }
0x67: {  	_ =	shalt  }
0x68: {  	_ =	shalt  }
0x69: {  	_ =	shalt  }
0x6a: {  	_ =	shalt  }
0x6b: {  	_ =	shalt  }
0x6c: {  	_ =	shalt  }
0x6d: {  	_ =	shalt  }
0x6e: {  	_ =	shalt  }
0x6f: {  	_ =	shalt  }
0x70: {  	_ =	shalt  }
0x71: {  	_ =	shalt  }
0x72: {  	_ =	shalt  }
0x73: {  	_ =	shalt  }
0x74: {  	_ =	shalt  }
0x75: {  	_ =	shalt  }
0x76: {  	_ =	shalt  }
0x77: {  	_ =	shalt  }
0x78: {  	_ =	shalt  }
0x79: {  	_ =	shalt  }
0x7a: {  	_ =	shalt  }
0x7b: {  	_ =	shalt  }
0x7c: {  	_ =	shalt  }
0x7d: {  	_ =	shalt  }
0x7e: {  	_ =	shalt  }
0x7f: {  	_ =	shalt  }
0x80: {  	_ =	shalt  }
0x81: {  	_ =	shalt  }
0x82: {  	_ =	shalt  }
0x83: {  	_ =	shalt  }
0x84: {  	_ =	shalt  }
0x85: {  	_ =	shalt  }
0x86: {  	_ =	shalt  }
0x87: {  	_ =	shalt  }
.Lfunc_end0:
.L_simem_size_0:
called_computation_lowered:
.L_overlay_start_0:
0x88: {  	s2 =	sld [smem:$0x3FD9]  }
0x89: {  	s3 =	sld [smem:$0x3FFE];
	_ =	sdelay $0x1  }
0x8a: {  	s1 =	srdreg.scid  }
0x8b: {  	s0 =	sand.u32 $0x1, s1  }
0x8c: {  	s15 =	sshll.u32 s0, $0xA;
	s2 =	sadd.s32 s3, s2  }
0x8d: {  	s2 =	sadd.s32 s2, s15  }
0x8e: {  	[smem:$0x3FBB] =	sst s2  }
0x8f: {  	_ = 	snop  }
0x90: {  	s16 =	sld [smem:$0x3FD0];
	_ =	sdelay $0x2  }
0x91: {  	s4 =	simm.s32 $0xB;
	s5 =	simm.s32 $0x10;
	s2 =	sld [smem:$0x3FC8]  }
0x92: {  	[smem:s5], [sflag:s4] =	dma.local [hbm:s16], $0x1  }
0x93: {  	_ =	swait.eq [sflag:s4], $0x1  }
0x94: {  	[sflag:s4] =	ssyncset.done $0x0  }
0x95: {  	[sflag:s4] =	ssyncadd.s32 $0xFFFFFFFF  }
0x96: {  	s17 =	sld [smem:$0x11];
	(tm) =	ssettm $0x1  }
0x97: {  	s18 =	sld [smem:$0x3FFB];
	_ =	sdelay $0x3  }
0x98: {  	_ =	strace s18  }
0x99: {  	s3 =	sld [smem:$0x3FFC];
	_ =	sdelay $0x3  }
0x9a: {  	_ =	strace s3  }
0x9b: {  	s3 =	sld [smem:$0x3FFD];
	_ =	sdelay $0x3  }
0x9c: {  	_ =	strace s3  }
0x9d: {  	_ =	strace $0x8FFFFFFF  }
0x9e: {  	s19 =	sld [smem:$0x3FDB];
	_ =	sdelay $0x1  }
0x9f: {  	s20 =	simm.s32 $_scs_section_size  }
0xa0: {  	s6 =	simm.s32 $_size__tile_overlayer_lowered;
	s7 =	simm.s32 $_tile_overlayer_lowered  }
0xa1: {  	s8 =	simm.s32 $0x1BFF;
	s21 =	sshll.u32 s7, $0x1;
	s5 =	sadd.s32 s20, s19  }
0xa2: {  	s22 =	simm.s32 $0x0;
	s6 =	sshll.u32 s6, $0x1;
	s7 =	sadd.s32 s21, s5  }
0xa3: {  	[timem:s22], [sflag:s8] =	dma.local [hbm:s7], s6  }
0xa4: {  	_ =	swait.ge [sflag:s8], s6  }
0xa5: {  	s6 =	ssub.s32 $0x0, s6;
	[sflag:s8] =	ssyncset.done $0x0  }
0xa6: {  	[sflag:s8] =	ssyncadd.s32 s6;
	_ =	sdelay $0x1  }
0xa7: {  	s23 =	simm.s32 $0x1B8B  }
0xa8: {  	_ =	swait.ge [sflag:s23], $0x1  }
0xa9: {  	[sflag:s23] =	ssyncset.done $0x0  }
0xaa: {  	[sflag:s23] =	ssyncadd.s32 $0xFFFFFFFF  }
0xab: {  	s6 =	sld [smem:$0x0]  }
0xac: {  	s7 =	sand.u32 $0xFFFFFFFE, s1  }
0xad: {  	p0 =	sne.s32 s1, s7  }
0xae: {  	s7 =	sshll.u32 @p0 s7, $0xE  }
0xaf: {  	s7 =	sadd.s32 @p0 $0x11B8D, s7;
	s8 =	sshll.u32 @p0 s6, $0x11  }
0xb0: {  	s7 =	sor.u32 @p0 s8, s7  }
0xb1: {  	[sflag:s7] =	ssyncadd.remote.s32 @p0 $0x1;
	_ =	sdelay $0x1  }
0xb2: {  	s7 =	simm.s32 @p0 $0x1B8D  }
0xb3: {  	_ =	swait.eq @p0 [sflag:s7], $0x1  }
0xb4: {  	[sflag:s7] =	ssyncadd.s32 @p0 $0xFFFFFFFF  }
0xb5: {  	s8 =	sshll.u32 @!p0 s1, $0xE  }
0xb6: {  	s8 =	sor.u32 @!p0 $0x4000, s8;
	s7 =	simm.s32 @!p0 $0x1B8D  }
0xb7: {  	s6 =	sshll.u32 @!p0 s6, $0x11;
	s8 =	sadd.s32 @!p0 $0x11B8D, s8;
	_ =	swait.eq @!p0 [sflag:s7], $0x1  }
0xb8: {  	s6 =	sor.u32 @!p0 s6, s8;
	[sflag:s7] =	ssyncadd.s32 @!p0 $0xFFFFFFFF  }
0xb9: {  	s25 =	simm.s32 $0x1B8E;
	s24 =	sld [smem:$0x3FFE];
	[sflag:s6] =	ssyncadd.remote.s32 @!p0 $0x1  }
0xba: {  	s26 =	simm.s32 $execute0_lowered;
	[smem:$0x3FD2] =	sst s25  }
0xbb: {  	s7 =	sshll.u32 s26, $0x1;
	_ =	strace $0x80000049;
	[dreg:$0x1] =	wrdreg $0xFFFFFFFF  }
0xbc: {  	s28 =	simm.s32 $_size_execute0_lowered;
	s5 =	sadd.s32 s5, s7;
	[dreg:$0x0] =	wrdreg $0x0  }
0xbd: {  	s7 =	sshll.u32 s28, $0x1;
	[dreg:$0x2] =	wrdreg s5  }
0xbe: {  	[dreg:$0x3] =	wrdreg s7  }
0xbf: {  	[dreg:$0x4] =	wrdreg $0xC0  }
0xc0: {  	_ =	task [dreg:s22], $0x5FFFF  }
0xc1: {  	[dreg:$0x1] =	wrdreg $0xFFFFFFFF  }
0xc2: {  	[dreg:$0x0] =	wrdreg $0x60  }
0xc3: {  	[dreg:$0x2] =	wrdreg s24  }
0xc4: {  	[dreg:$0x3] =	wrdreg s2  }
0xc5: {  	[dreg:$0x4] =	wrdreg s17  }
0xc6: {  	[dreg:$0x5] =	wrdreg $0x9  }
0xc7: {  	_ =	task.clear_ibuf [dreg:s22], $0x6FFFF;
	_ =	strace $0x90000049  }
0xc8: {  	s29 =	simm.s32 $0x9;
	_ =	strace $0x8000004B  }
0xc9: {  	_ =	swait.ge [sflag:s29], $0x1  }
0xca: {  	[sflag:s29] =	ssyncadd.s32 $0xFFFFFFFF  }
0xcb: {  	_ =	strace $0x9000004B  }
0xcc: {  	_ =	sfence  }
0xcd: {  	s30 =	sld [smem:$0x0];
	_ =	sdelay $0x2  }
0xce: {  	s31 =	sshll.u32 s1, $0xD;
	s1 =	sshrl.u32 s1, $0x2  }
0xcf: {  	s4 =	sand.u32 $0x4000, s31;
	s1 =	sadd.s32 s1, s30  }
0xd0: {  	s0 =	sor.u32 s4, s0;
	s1 =	sshll.u32 s1, $0x11  }
0xd1: {  	s0 =	sor.u32 s1, s0  }
0xd2: {  	s0 =	sadd.s32 $0x8F2B, s0  }
0xd3: {  	[sflag:s0] =	ssyncadd.remote.s32 $0x1  }
0xd4: {  	_ =	sfence.sel $0xFFFF  }
0xd5: {  	[dreg:$0x0] =	wrdreg $0xFFFFFFFF;
	(pc) =	sbr.abs _section_cstart, $3  }
0xd6: {  	[dreg:$0x1] =	wrdreg $0xFFFFFFFF  }
0xd7: {  	_ =	task.clear_ibuf [dreg:s22], $0x2FFFF;
	_ =	strace $0x9FFFFFFF  }
0xd8: {  	(tm) =	ssettm $0x7FFFFFFF  }
0xd9: {  	_ =	shalt  }
tec
execute0_lowered:
.L_overlay_start_1:
0x0: {  	(tag) =	ssettag $0x1  }
0x1: {  	s1 =	stileid.u32  }
0x2: {  	p0 =	sgt.u32 s1, $0x3  }
.Ltmp0:
0x3: {  	s4 =	rddreg [dreg:$0x0];
	(pc) =	sbr.rel @p0 .LBB2_4-.Ltmp0, $4  }
0x4: {  	s2 =	rddreg [dreg:$0x1]  }
0x5: {  	s8 =	rddreg [dreg:$0x2];
	s3 =	simm.s32 $0x0  }
0x6: {  	[smem:$0x7FF] =	sst s3  }
0x7: {  	s0 =	rddreg [dreg:$0x3];
	_ =	strace $0x8000004A  }
0x8: {  	s5 =	srdreg.scid  }
0x9: {  	s30 =	sshll.u32 s1, $0x1;
	s6 =	sand.u32 $0x1, s5  }
0xa: {  	s4 =	sadd.s32 $0x1E00, s4;
	s9 =	sor.u32 s6, s30  }
0xb: {  	s5 =	sadd.s32 s4, s9;
	s4 =	simm.s32 $0x2  }
0xc: {  	[tilespmem:s3], [sflag:$0x2] =	stream.linear.gather [hbm4b:s5+s3], $0x8, $0x38;
	[tilespmem:$0x880] =	vst v63  }
0xd: {  	_ =	swait.ge [sflag:s4], $0x8  }
0xe: {  	[sflag:s4] =	ssyncset.done $0x0  }
0xf: {  	[sflag:s4] =	ssyncadd.s32 $0xFFFFFFF8  }
0x10: {  	v0 =	vld.msk [tilespmem:$0x0], $0xff;
	_ =	sdelay $0x4  }
0x11: {  	v1 =	vshll.u32 v0, $0x1  }
0x12: {  	v2 =	vlaneseq.u32;
	v3 =	vand.u32 $0x7, v0;
	v1 =	vand.u32 $0xFFFFFFF0, v1  }
0x13: {  	v0 =	vand.u32 $0x7, v2;
	v2 =	vshrl.u32 v2, $0x3;
	v3 =	vor.u32 v3, v1  }
0x14: {  	v1 =	vmul.u32 $0x8, v2;
	v2 =	vperm.xlane v3, v0;
	_ =	sdelay $0x1  }
0x15: {  	v2 =	vadd.s32 v1, v2  }
0x16: {  	s10 =	ssub.s32 $0x2, s6  }
0x17: {  	s11 =	sshrl.u32 s10, $0x1  }
0x18: {  	s10 =	ssub.s32 s10, s11  }
0x19: {  	vm0 =	vmmov $0xffff;
	s7 =	simm.s32 $0x1;
	s6 =	simm.s32 $0x80;
	s31 =	smax.u32 s10, $0x1  }
0x1a: {  	[tilespmem:s6], [sflag:$0x1] =	stream.indirect_vreg.gather [hbm4b:s2+s3], $0x80, v2, vm0, $0xb8;
	[tilespmem:$0x880] =	vst v63  }
0x1b: {  	p0 =	sne.s32 s31, $0x1;
	_ =	swait.ge [sflag:s7], $0x800  }
.Ltmp1:
0x1c: {  	s9 =	sshll.u32 s9, $0x8;
	[sflag:s7] =	ssyncset.done $0x0;
	(pc) =	sbr.rel @!p0 .LBB2_3-.Ltmp1, $4  }
0x1d: {  	s8 =	sadd.s32 s8, s9;
	[sflag:s7] =	ssyncadd.s32 $0xFFFFF800  }
0x1e: {  	[hbm4b:s8+s3] =	stream.linear.scatter [tilespmem:s6], [sflag:$0x2], $0x800, $0x38;
	[tilespmem:$0x880] =	vst v63  }
0x1f: {  	_ =	swait.ge [sflag:s4], $0x800  }
0x20: {  	s9 =	sadd.s32 $0xFFFFFFFF, s31;
	[sflag:s4] =	ssyncset.done $0x0  }
.LBB2_2:
0x21: {  	p0 =	sne.s32 s9, $0x1;
	s9 =	sadd.s32 $0xFFFFFFFF, s9;
	[sflag:s4] =	ssyncadd.s32 $0xFFFFF800  }
0x22: {  	[tilespmem:s3], [sflag:$0x2] =	stream.linear.gather [hbm4b:s5+s3], $0x8, $0x38;
	[tilespmem:$0x880] =	vst v63  }
0x23: {  	_ =	swait.ge [sflag:s4], $0x8  }
0x24: {  	[sflag:s4] =	ssyncset.done $0x0  }
0x25: {  	[sflag:s4] =	ssyncadd.s32 $0xFFFFFFF8  }
0x26: {  	v2 =	vld.msk [tilespmem:$0x0], $0xff;
	_ =	sdelay $0x4  }
0x27: {  	v3 =	vshll.u32 v2, $0x1  }
0x28: {  	v2 =	vand.u32 $0x7, v2;
	v3 =	vand.u32 $0xFFFFFFF0, v3  }
0x29: {  	v2 =	vor.u32 v2, v3  }
0x2a: {  	v2 =	vperm.xlane v2, v0;
	_ =	sdelay $0x1  }
0x2b: {  	v2 =	vadd.s32 v1, v2;
	_ =	sdelay $0x4  }
0x2c: {  	[tilespmem:s6], [sflag:$0x1] =	stream.indirect_vreg.gather [hbm4b:s2+s3], $0x80, v2, vm0, $0xb8;
	[tilespmem:$0x880] =	vst v63  }
0x2d: {  	_ =	swait.ge [sflag:s7], $0x800  }
.Ltmp2:
0x2e: {  	[sflag:s7] =	ssyncset.done $0x0;
	(pc) =	sbr.rel @p0 .LBB2_2-.Ltmp2, $4  }
0x2f: {  	[sflag:s7] =	ssyncadd.s32 $0xFFFFF800  }
0x30: {  	[hbm4b:s8+s3] =	stream.linear.scatter [tilespmem:s6], [sflag:$0x2], $0x800, $0x38;
	[tilespmem:$0x880] =	vst v63  }
0x31: {  	_ =	swait.ge [sflag:s4], $0x800  }
0x32: {  	[sflag:s4] =	ssyncset.done $0x0  }
.LBB2_3:
0x33: {  	[sflag:s4] =	ssyncadd.s32 $0xFFFFF800  }
.LBB2_4:
0x34: {  	_ =	sfence.sel $0x180000  }
0x35: {  	[bflag:$0x0] =	sbarrier.arrive $0xFFFF  }
0x36: {  	p0 =	sne.s32 s1, $0x0;
	_ =	strace $0x9000004A  }
0x37: {  	s0 =	sadd.s32 @!p0 $0x100000, s0;
	[bflag:$0x2] =	sbarrier.arrive $0xFFFF  }
0x38: {  	[sflag:s0] =	ssyncadd.tile.s32 @!p0 $0x1;
	_ =	shalt  }
.Lfunc_end2:
_tile_overlayer_lowered:
.L_overlay_start_2:
0x39: {  	(tag) =	ssettag $0x2  }
0x3a: {  	s0 =	rddreg [dreg:$0x0];
	s2 =	stileid.u32  }
0x3b: {  	s1 =	rddreg [dreg:$0x1];
	p0 =	sne.s32 s2, $0x0  }
0x3c: {  	s3 =	rddreg [dreg:$0x2];
	[bflag:$0x3] =	sbarrier.arrive $0xFFFF;
	s2 =	simm.s32 @!p0 $0x1C02  }
0x3d: {  	[timem:s3], [sflag:s2] =	dma.local @!p0 [hbm:s0], s1  }
0x3e: {  	s0 =	simm.s32 @!p0 $0x2  }
0x3f: {  	_ =	swait.ge @!p0 [sflag:s0], s1  }
0x40: {  	s1 =	ssub.s32 @!p0 $0x0, s1;
	[sflag:s0] =	ssyncset.done @!p0 $0x0  }
0x41: {  	[sflag:s0] =	ssyncadd.s32 @!p0 s1  }
0x42: {  	[bflag:$0x3] =	sbarrier.arrive $0xFFFF  }
0x43: {  	_ =	shalt  }

// kernel: kernel.8.cloned.1.call-start
scs
__scs_entry_jumppad:
0x0: {  	(pc) =	sbr.rel $0x88, $3  }
0x1: {  	(tag) =	ssettag $0x0;
	lr =	simm.s32 $0x1  }
0x2: {  	[smem:$0x3F94] =	sst lr;
	_ =	strace $0xD0000000  }
0x3: {  	_ = 	snop  }
0x4: {  	_ = 	snop  }
0x5: {  	_ = 	snop  }
0x6: {  	_ = 	snop  }
0x7: {  	_ = 	snop  }
__scs_overlays_trampoline_lowered:
0x8: {  	[smem:$0x3FA3] =	sst s0  }
0x9: {  	[smem:$0x3FA4] =	sst s1  }
0xa: {  	[smem:$0x3FA5] =	sst s2  }
0xb: {  	[smem:$0x3FA6] =	sst s3  }
0xc: {  	[smem:$0x3FA7] =	sst s4  }
0xd: {  	[smem:$0x3FA8] =	sst s5  }
0xe: {  	[smem:$0x3FA9] =	sst s6  }
0xf: {  	[smem:$0x3FAA] =	sst s7  }
0x10: {  	[smem:$0x3FAB] =	sst s8  }
0x11: {  	[smem:$0x3FAC] =	sst s9;
	s0 =	simm.s32 @!p0 $0x0  }
0x12: {  	s1 =	sld [smem:$0x3F92];
	s0 =	simm.s32 @p0 $0x1  }
0x13: {  	[smem:$0x3FAD] =	sst s0;
	s0 =	simm.s32 @!p1 $0x0  }
0x14: {  	s2 =	sld [smem:$0x3F91];
	s0 =	simm.s32 @p1 $0x1  }
0x15: {  	[smem:$0x3FAE] =	sst s0;
	s0 =	simm.s32 @!p2 $0x0  }
0x16: {  	s3 =	sld [smem:$0x3FDB];
	s0 =	simm.s32 @p2 $0x1  }
0x17: {  	s4 =	simm.s32 $0x1BF5;
	[smem:$0x3FB0] =	sst s0  }
0x18: {  	s0 =	sld [smem:$0x3F93];
	_ =	swait.ge [sflag:s4], $0x0  }
0x19: {  	s7 =	sld [smem:$0x3F94]  }
0x1a: {  	s8 =	sadd.s32 $0xFFFFE003, lr  }
0x1b: {  	s9 =	sadd.s32 $0xFFFFFEF7, lr;
	s5 =	simm.s32 $0xFFFFFFFF;
	p2 =	slt.u32 s8, $0xFFFFF086  }
0x1c: {  	p1 =	slt.u32 s9, $0xF7A;
	s5 =	simm.s32 @!p2 $0x0  }
0x1d: {  	s5 =	simm.s32 @p1 $0x1;
	p0 =	seq.s32 s7, s2  }
0x1e: {  	s7 =	smul.u32 @!p0 $0xF7A, s2;
	p2 =	seq.s32 @!p0 s5, $0x0  }
0x1f: {  	s9 =	smul.u32 $0xF7A, s1;
	s8 =	simm.s32 @!p0 $0x1BF5;
	p2 =	por !p2, p0  }
0x20: {  	[sflag:s8] =	ssyncset.s32 @!p0 $0xFFFFF086;
	s6 =	sadd.s32 @!p0 s3, s7;
	s7 =	simm.s32 @!p0 $0x108  }
0x21: {  	s3 =	sadd.s32 s3, s9;
	s6 =	sadd.s32 @!p0 $0x88, s6;
	s7 =	simm.s32 @p2 $0x1082  }
0x22: {  	[simem:s7], [sflag:s8] =	dma.local @!p0 [hbm:s6], $0xF7A  }
0x23: {  	s9 =	sor.u32 $0xD0000000, s2;
	s6 =	simm.s32 $0x108;
	_ =	swait.ge @!p0 [sflag:s8], $0x0  }
0x24: {  	s3 =	sadd.s32 $0x88, s3;
	s6 =	simm.s32 @!p1 $0x1082;
	[sflag:s4] =	ssyncset.s32 $0xFFFFF086  }
0x25: {  	[simem:s6], [sflag:s4] =	dma.local [hbm:s3], $0xF7A  }
0x26: {  	[smem:$0x3F94] =	sst s1;
	(tag) =	ssettag s2;
	_ =	strace s9  }
0x27: {  	s1 =	sld [smem:$0x3FA4]  }
0x28: {  	s2 =	sld [smem:$0x3FA5]  }
0x29: {  	s4 =	sld [smem:$0x3FA7]  }
0x2a: {  	p0 =	seq.s32 s5, $0x0;
	s5 =	sld [smem:$0x3FA8]  }
0x2b: {  	s6 =	sld [smem:$0x3FA9]  }
0x2c: {  	s7 =	sld [smem:$0x3FAA]  }
0x2d: {  	s3 =	simm.s32 $0x108;
	s8 =	sld [smem:$0x3FAB]  }
0x2e: {  	s3 =	simm.s32 @!p0 $0x1082;
	s9 =	sld [smem:$0x3FAC]  }
0x2f: {  	lr =	sadd.s32 s0, s3;
	s0 =	sld [smem:$0x3FA3]  }
0x30: {  	s3 =	sld [smem:$0x3FA6]  }
0x31: {  	[smem:$0x3FAF] =	sst s10  }
0x32: {  	s10 =	sld [smem:$0x3FAD];
	_ =	sdelay $0x3  }
0x33: {  	p0 =	seq.s32 s10, $0x1;
	s10 =	sld [smem:$0x3FAF];
	_ =	sdelay $0x3  }
0x34: {  	[smem:$0x3FAF] =	sst s10  }
0x35: {  	s10 =	sld [smem:$0x3FAE];
	_ =	sdelay $0x3  }
0x36: {  	p1 =	seq.s32 s10, $0x1;
	s10 =	sld [smem:$0x3FAF];
	_ =	sdelay $0x3  }
0x37: {  	[smem:$0x3FAF] =	sst s10  }
0x38: {  	s10 =	sld [smem:$0x3FB0]  }
0x39: {  	_ = 	snop;
	(pc) =	sbr.ind lr, $3  }
0x3a: {  	_ = 	snop  }
0x3b: {  	_ = 	snop  }
0x3c: {  	p2 =	seq.s32 s10, $0x1;
	s10 =	sld [smem:$0x3FAF]  }
0x3d: {  	_ =	shalt  }
0x3e: {  	_ =	shalt  }
0x3f: {  	_ =	shalt  }
0x40: {  	_ =	shalt  }
0x41: {  	_ =	shalt  }
0x42: {  	_ =	shalt  }
0x43: {  	_ =	shalt  }
0x44: {  	_ =	shalt  }
0x45: {  	_ =	shalt  }
0x46: {  	_ =	shalt  }
0x47: {  	_ =	shalt  }
0x48: {  	_ =	shalt  }
0x49: {  	_ =	shalt  }
0x4a: {  	_ =	shalt  }
0x4b: {  	_ =	shalt  }
0x4c: {  	_ =	shalt  }
0x4d: {  	_ =	shalt  }
0x4e: {  	_ =	shalt  }
0x4f: {  	_ =	shalt  }
0x50: {  	_ =	shalt  }
0x51: {  	_ =	shalt  }
0x52: {  	_ =	shalt  }
0x53: {  	_ =	shalt  }
0x54: {  	_ =	shalt  }
0x55: {  	_ =	shalt  }
0x56: {  	_ =	shalt  }
0x57: {  	_ =	shalt  }
0x58: {  	_ =	shalt  }
0x59: {  	_ =	shalt  }
0x5a: {  	_ =	shalt  }
0x5b: {  	_ =	shalt  }
0x5c: {  	_ =	shalt  }
0x5d: {  	_ =	shalt  }
0x5e: {  	_ =	shalt  }
0x5f: {  	_ =	shalt  }
0x60: {  	_ =	shalt  }
0x61: {  	_ =	shalt  }
0x62: {  	_ =	shalt  }
0x63: {  	_ =	shalt  }
0x64: {  	_ =	shalt  }
0x65: {  	_ =	shalt  }
0x66: {  	_ =	shalt  }
0x67: {  	_ =	shalt  }
0x68: {  	_ =	shalt  }
0x69: {  	_ =	shalt  }
0x6a: {  	_ =	shalt  }
0x6b: {  	_ =	shalt  }
0x6c: {  	_ =	shalt  }
0x6d: {  	_ =	shalt  }
0x6e: {  	_ =	shalt  }
0x6f: {  	_ =	shalt  }
0x70: {  	_ =	shalt  }
0x71: {  	_ =	shalt  }
0x72: {  	_ =	shalt  }
0x73: {  	_ =	shalt  }
0x74: {  	_ =	shalt  }
0x75: {  	_ =	shalt  }
0x76: {  	_ =	shalt  }
0x77: {  	_ =	shalt  }
0x78: {  	_ =	shalt  }
0x79: {  	_ =	shalt  }
0x7a: {  	_ =	shalt  }
0x7b: {  	_ =	shalt  }
0x7c: {  	_ =	shalt  }
0x7d: {  	_ =	shalt  }
0x7e: {  	_ =	shalt  }
0x7f: {  	_ =	shalt  }
0x80: {  	_ =	shalt  }
0x81: {  	_ =	shalt  }
0x82: {  	_ =	shalt  }
0x83: {  	_ =	shalt  }
0x84: {  	_ =	shalt  }
0x85: {  	_ =	shalt  }
0x86: {  	_ =	shalt  }
0x87: {  	_ =	shalt  }
.Lfunc_end0:
.L_simem_size_0:
called_computation.1_lowered:
.L_overlay_start_0:
0x88: {  	s2 =	sld [smem:$0x3FD9]  }
0x89: {  	s3 =	sld [smem:$0x3FFE];
	_ =	sdelay $0x1  }
0x8a: {  	s1 =	srdreg.scid  }
0x8b: {  	s0 =	sand.u32 $0x1, s1  }
0x8c: {  	s15 =	sshll.u32 s0, $0xA;
	s2 =	sadd.s32 s3, s2  }
0x8d: {  	s2 =	sadd.s32 s2, s15  }
0x8e: {  	[smem:$0x3FBB] =	sst s2  }
0x8f: {  	_ = 	snop  }
0x90: {  	s2 =	sld [smem:$0x3FD0];
	_ =	sdelay $0x2  }
0x91: {  	s16 =	simm.s32 $0xB;
	s4 =	simm.s32 $0x10  }
0x92: {  	[smem:s4], [sflag:s16] =	dma.local [hbm:s2], $0x1  }
0x93: {  	_ =	swait.eq [sflag:s16], $0x1  }
0x94: {  	[sflag:s16] =	ssyncset.done $0x0  }
0x95: {  	s17 =	sld [smem:$0x10];
	[sflag:s16] =	ssyncadd.s32 $0xFFFFFFFF  }
0x96: {  	s18 =	sld [smem:$0x12];
	(tm) =	ssettm $0x1  }
0x97: {  	s19 =	sld [smem:$0x3FFB];
	_ =	sdelay $0x3  }
0x98: {  	_ =	strace s19  }
0x99: {  	s4 =	sld [smem:$0x3FFC];
	_ =	sdelay $0x3  }
0x9a: {  	_ =	strace s4  }
0x9b: {  	s4 =	sld [smem:$0x3FFD];
	_ =	sdelay $0x3  }
0x9c: {  	_ =	strace s4  }
0x9d: {  	_ =	strace $0x8FFFFFFF  }
0x9e: {  	s20 =	sld [smem:$0x3FDB];
	_ =	sdelay $0x1  }
0x9f: {  	s5 =	simm.s32 $_scs_section_size  }
0xa0: {  	s6 =	simm.s32 $_size__tile_overlayer_lowered;
	s7 =	simm.s32 $_tile_overlayer_lowered  }
0xa1: {  	s23 =	simm.s32 $0x1BFF;
	s22 =	sshll.u32 s7, $0x1;
	s4 =	sadd.s32 s5, s20  }
0xa2: {  	s8 =	simm.s32 $0x0;
	s21 =	sshll.u32 s6, $0x1;
	s6 =	sadd.s32 s22, s4  }
0xa3: {  	[timem:s8], [sflag:s23] =	dma.local [hbm:s6], s21  }
0xa4: {  	_ =	swait.ge [sflag:s23], s21  }
0xa5: {  	s5 =	ssub.s32 $0x0, s21;
	[sflag:s23] =	ssyncset.done $0x0  }
0xa6: {  	[sflag:s23] =	ssyncadd.s32 s5;
	_ =	sdelay $0x1  }
0xa7: {  	s24 =	simm.s32 $0x1B8B  }
0xa8: {  	_ =	swait.ge [sflag:s24], $0x1  }
0xa9: {  	[sflag:s24] =	ssyncset.done $0x0  }
0xaa: {  	s25 =	simm.s32 $0x1B8E;
	[sflag:s24] =	ssyncadd.s32 $0xFFFFFFFF  }
0xab: {  	s26 =	simm.s32 $execute0_lowered;
	[smem:$0x3FD2] =	sst s25  }
0xac: {  	s5 =	sshll.u32 s26, $0x1;
	_ =	strace $0x80000046;
	[dreg:$0x1] =	wrdreg $0xFFFFFFFF  }
0xad: {  	s28 =	simm.s32 $_size_execute0_lowered;
	s4 =	sadd.s32 s4, s5;
	[dreg:$0x0] =	wrdreg $0x0  }
0xae: {  	s5 =	sshll.u32 s28, $0x1;
	[dreg:$0x2] =	wrdreg s4  }
0xaf: {  	[dreg:$0x3] =	wrdreg s5  }
0xb0: {  	[dreg:$0x4] =	wrdreg $0xC0  }
0xb1: {  	_ =	task [dreg:s8], $0x5FFFF  }
0xb2: {  	[dreg:$0x1] =	wrdreg $0xFFFFFFFF  }
0xb3: {  	[dreg:$0x0] =	wrdreg $0x60  }
0xb4: {  	[dreg:$0x2] =	wrdreg s17  }
0xb5: {  	[dreg:$0x3] =	wrdreg s18  }
0xb6: {  	[dreg:$0x4] =	wrdreg $0xA  }
0xb7: {  	_ =	task.clear_ibuf [dreg:s8], $0x5FFFF;
	_ =	strace $0x90000046  }
0xb8: {  	s29 =	simm.s32 $0xA;
	_ =	strace $0x80000048  }
0xb9: {  	_ =	swait.ge [sflag:s29], $0x1  }
0xba: {  	[sflag:s29] =	ssyncadd.s32 $0xFFFFFFFF  }
0xbb: {  	_ =	strace $0x90000048  }
0xbc: {  	_ =	sfence  }
0xbd: {  	s30 =	sld [smem:$0x0];
	_ =	sdelay $0x2  }
0xbe: {  	s31 =	sshll.u32 s1, $0xD;
	s1 =	sshrl.u32 s1, $0x2  }
0xbf: {  	s3 =	sand.u32 $0x4000, s31;
	s1 =	sadd.s32 s1, s30  }
0xc0: {  	s0 =	sor.u32 s3, s0;
	s1 =	sshll.u32 s1, $0x11  }
0xc1: {  	s0 =	sor.u32 s1, s0  }
0xc2: {  	s0 =	sadd.s32 $0x8F2B, s0  }
0xc3: {  	[sflag:s0] =	ssyncadd.remote.s32 $0x1  }
0xc4: {  	_ =	sfence.sel $0xFFFF  }
0xc5: {  	[dreg:$0x0] =	wrdreg $0xFFFFFFFF;
	(pc) =	sbr.abs _section_cstart, $3  }
0xc6: {  	[dreg:$0x1] =	wrdreg $0xFFFFFFFF  }
0xc7: {  	_ =	task.clear_ibuf [dreg:s8], $0x2FFFF;
	_ =	strace $0x9FFFFFFF  }
0xc8: {  	(tm) =	ssettm $0x7FFFFFFF  }
0xc9: {  	_ =	shalt  }
tec
execute0_lowered:
.L_overlay_start_1:
0x0: {  	(tag) =	ssettag $0x1  }
0x1: {  	s1 =	rddreg [dreg:$0x0]  }
0x2: {  	s5 =	rddreg [dreg:$0x1];
	s3 =	simm.s32 $0x0;
	s4 =	srdreg.scid  }
0x3: {  	[smem:$0x7FF] =	sst s3;
	s4 =	sand.u32 $0x1, s4  }
0x4: {  	s0 =	rddreg [dreg:$0x2];
	_ =	strace $0x80000047;
	s7 =	ssub.s32 $0x2, s4  }
0x5: {  	[tilespmem:s3], [sflag:$0x1] =	stream.linear.gather [hbm4b:s1+s3], $0x1500, $0x38;
	[tilespmem:$0x1500] =	vst v63  }
0x6: {  	s2 =	stileid.u32;
	s8 =	sshrl.u32 s7, $0x1  }
0x7: {  	s6 =	sshll.u32 s2, $0x1;
	s7 =	ssub.s32 s7, s8  }
0x8: {  	s6 =	sor.u32 s4, s6;
	s4 =	simm.s32 $0x1;
	s31 =	smax.u32 s7, $0x1  }
0x9: {  	s6 =	smul.u32 $0x294, s6;
	_ =	swait.ge [sflag:s4], $0x1500;
	p0 =	sne.s32 s31, $0x1  }
.Ltmp0:
0xa: {  	[sflag:s4] =	ssyncset.done $0x0;
	(pc) =	sbr.rel @!p0 .LBB2_2-.Ltmp0, $4  }
0xb: {  	s5 =	sadd.s32 s5, s6;
	[sflag:s4] =	ssyncadd.s32 $0xFFFFEB00  }
0xc: {  	[hbm4b:s5+s3] =	stream.linear.scatter [tilespmem:s3], [sflag:$0x1], $0x14A0, $0x38;
	[tilespmem:$0x1500] =	vst v63  }
0xd: {  	_ =	swait.ge [sflag:s4], $0x14A0  }
0xe: {  	s6 =	sadd.s32 $0xFFFFFFFF, s31;
	[sflag:s4] =	ssyncset.done $0x0  }
.LBB2_1:
0xf: {  	p0 =	sne.s32 s6, $0x1;
	s6 =	sadd.s32 $0xFFFFFFFF, s6;
	[sflag:s4] =	ssyncadd.s32 $0xFFFFEB60  }
0x10: {  	[tilespmem:s3], [sflag:$0x1] =	stream.linear.gather [hbm4b:s1+s3], $0x1500, $0x38;
	[tilespmem:$0x1500] =	vst v63  }
0x11: {  	_ =	swait.ge [sflag:s4], $0x1500  }
.Ltmp1:
0x12: {  	[sflag:s4] =	ssyncset.done $0x0;
	(pc) =	sbr.rel @p0 .LBB2_1-.Ltmp1, $4  }
0x13: {  	[sflag:s4] =	ssyncadd.s32 $0xFFFFEB00  }
0x14: {  	[hbm4b:s5+s3] =	stream.linear.scatter [tilespmem:s3], [sflag:$0x1], $0x14A0, $0x38;
	[tilespmem:$0x1500] =	vst v63  }
0x15: {  	_ =	swait.ge [sflag:s4], $0x14A0  }
0x16: {  	[sflag:s4] =	ssyncset.done $0x0  }
.LBB2_2:
0x17: {  	[sflag:s4] =	ssyncadd.s32 $0xFFFFEB60  }
0x18: {  	_ =	sfence.sel $0x180000  }
0x19: {  	[bflag:$0x0] =	sbarrier.arrive $0xFFFF  }
0x1a: {  	p0 =	sne.s32 s2, $0x0;
	_ =	strace $0x90000047  }
0x1b: {  	s0 =	sadd.s32 @!p0 $0x100000, s0;
	[bflag:$0x2] =	sbarrier.arrive $0xFFFF  }
0x1c: {  	[sflag:s0] =	ssyncadd.tile.s32 @!p0 $0x1;
	_ =	shalt  }
.Lfunc_end2:
_tile_overlayer_lowered:
.L_overlay_start_2:
0x1d: {  	(tag) =	ssettag $0x2  }
0x1e: {  	s0 =	rddreg [dreg:$0x0];
	s2 =	stileid.u32  }
0x1f: {  	s1 =	rddreg [dreg:$0x1];
	p0 =	sne.s32 s2, $0x0  }
0x20: {  	s3 =	rddreg [dreg:$0x2];
	[bflag:$0x3] =	sbarrier.arrive $0xFFFF;
	s2 =	simm.s32 @!p0 $0x1C01  }
0x21: {  	[timem:s3], [sflag:s2] =	dma.local @!p0 [hbm:s0], s1  }
0x22: {  	s0 =	simm.s32 @!p0 $0x1  }
0x23: {  	_ =	swait.ge @!p0 [sflag:s0], s1  }
0x24: {  	s1 =	ssub.s32 @!p0 $0x0, s1;
	[sflag:s0] =	ssyncset.done @!p0 $0x0  }
0x25: {  	[sflag:s0] =	ssyncadd.s32 @!p0 s1  }
0x26: {  	[bflag:$0x3] =	sbarrier.arrive $0xFFFF  }
0x27: {  	_ =	shalt  }

</sc_bundles>
